<compile_context>
chip_gen: v7x
topology: tpu7x:2x2x1
jax: 0.10.2.dev20260603
libtpu: 0.0.44.dev20260713+nightly
codegen_flags: <defaults>
</compile_context>

<pallas_src>
import functools

import jax
import jax.numpy as jnp
from jax import lax
from jax.experimental import pallas as pl
from jax.experimental.pallas import tpu as pltpu
from jax.experimental.pallas import tpu_sc as plsc

LATENT = 32
HIDDEN = 64
NC, NS = 2, 16
NW = NC * NS


def _pad_rows(x, mult, fill=0):
    n = x.shape[0]
    pad = (-n) % mult
    if pad == 0:
        return x
    return jnp.concatenate(
        [x, jnp.full((pad,) + x.shape[1:], fill, x.dtype)], axis=0)


def _silu(x):
    return x * jax.nn.sigmoid(x)


def _bd4(W):
    return jnp.kron(jnp.eye(4, dtype=W.dtype), W)



def _sc_gather_multi(items):
    D = LATENT
    mesh = plsc.VectorSubcoreMesh(core_axis_name="c", subcore_axis_name="s")
    maxc = max(chunk for _, _, chunk in items)
    out_types = [jax.ShapeDtypeStruct((idx.shape[0], D), jnp.float32)
                 for _, idx, _ in items]
    plans = [(idx.shape[0] // NW, chunk) for _, idx, chunk in items]

    @functools.partial(
        pl.kernel, mesh=mesh,
        out_type=tuple(out_types),
        scratch_types=[pltpu.VMEM((maxc,), jnp.int32),
                       pltpu.VMEM((maxc,), jnp.int32),
                       pltpu.VMEM((maxc, D), jnp.float32),
                       pltpu.VMEM((maxc, D), jnp.float32),
                       pltpu.SemaphoreType.DMA,
                       pltpu.SemaphoreType.DMA],
        compiler_params=pltpu.CompilerParams(use_tc_tiling_on_sc=False),
    )
    def k(*refs):
        n = len(items)
        tables = refs[0:2 * n:2]
        idxs = refs[1:2 * n:2]
        outs = refs[2 * n:3 * n]
        ia, ib, ra, rb, sa, sb = refs[3 * n:3 * n + 6]
        wid = lax.axis_index("s") * NC + lax.axis_index("c")

        for it in range(n):
            b_per_w, chunk = plans[it]
            iters = b_per_w // chunk
            t_hbm = tables[it]
            i_hbm = idxs[it]
            o_hbm = outs[it]
            iv_a, iv_b = ia.at[pl.ds(0, chunk)], ib.at[pl.ds(0, chunk)]
            rv_a, rv_b = ra.at[pl.ds(0, chunk)], rb.at[pl.ds(0, chunk)]

            def one(i, iv, rv, sem):
                base = wid * b_per_w + i * chunk
                pltpu.sync_copy(i_hbm.at[pl.ds(base, chunk)], iv)
                h = pltpu.async_copy(t_hbm.at[iv], rv, sem)
                return base, h

            def flush(base, h, rv):
                h.wait()
                pltpu.sync_copy(rv, o_hbm.at[pl.ds(base, chunk)])

            def body(p, _):
                b0, h0 = one(2 * p, iv_a, rv_a, sa)
                b1, h1 = one(2 * p + 1, iv_b, rv_b, sb)
                flush(b0, h0, rv_a)
                flush(b1, h1, rv_b)
                return 0

            lax.fori_loop(0, iters // 2, body, 0)
            if iters % 2:
                b0, h0 = one(iters - 1, iv_a, rv_a, sa)
                flush(b0, h0, rv_a)

    outs = k(*[x for (t, idx, _) in items for x in (t, idx)])
    return list(outs) if isinstance(outs, (tuple, list)) else [outs]


def _sc_gather(table4, idx, *, chunk):
    return _sc_gather_multi([(table4, idx, chunk)])[0]



@functools.partial(jax.jit, static_argnames=("n_seg_pad", "chunk"))
def _sc_scatter_add(vals, idx, *, n_seg_pad, chunk):
    B, D = vals.shape
    b_per_w = B // NW
    iters = b_per_w // chunk
    z = n_seg_pad // NS
    mesh = plsc.VectorSubcoreMesh(core_axis_name="c", subcore_axis_name="s")
    zeros = jnp.zeros((n_seg_pad, D), jnp.float32)

    @functools.partial(
        pl.kernel, mesh=mesh,
        out_type=jax.ShapeDtypeStruct((NC, n_seg_pad, D), jnp.float32),
        scratch_types=[pltpu.VMEM((chunk,), jnp.int32),
                       pltpu.VMEM((chunk,), jnp.int32),
                       pltpu.VMEM((chunk, D), jnp.float32),
                       pltpu.VMEM((chunk, D), jnp.float32),
                       pltpu.VMEM_SHARED((n_seg_pad, D), jnp.float32),
                       pltpu.SemaphoreType.DMA, pltpu.SemaphoreType.DMA,
                       pltpu.SemaphoreType.DMA, pltpu.SemaphoreType.DMA],
        compiler_params=pltpu.CompilerParams(use_tc_tiling_on_sc=False),
    )
    def k(vals_hbm, idx_hbm, zeros_hbm, out_hbm, ia, ib, ra, rb, acc_sh,
          sla, slb, ssa, ssb):
        cid = lax.axis_index("c")
        sid = lax.axis_index("s")
        pltpu.sync_copy(zeros_hbm.at[pl.ds(sid * z, z)],
                        acc_sh.at[pl.ds(sid * z, z)])
        plsc.subcore_barrier()

        def load(i, iv, rv, sl):
            base = (sid * NC + cid) * b_per_w + i * chunk
            hi = pltpu.async_copy(idx_hbm.at[pl.ds(base, chunk)], iv, sl)
            hv = pltpu.async_copy(vals_hbm.at[pl.ds(base, chunk)], rv, sl)
            return hi, hv

        def scat(h, iv, rv, ss):
            h[0].wait()
            h[1].wait()
            return pltpu.async_copy(rv, acc_sh.at[iv], ss, add=True)

        def body(p, _):
            ha = load(2 * p, ia, ra, sla)
            hb = load(2 * p + 1, ib, rb, slb)
            wa = scat(ha, ia, ra, ssa)
            wb = scat(hb, ib, rb, ssb)
            wa.wait()
            wb.wait()
            return 0

        lax.fori_loop(0, iters // 2, body, 0)
        if iters % 2:
            ha = load(iters - 1, ia, ra, sla)
            scat(ha, ia, ra, ssa).wait()
        plsc.subcore_barrier()
        pltpu.sync_copy(acc_sh.at[pl.ds(sid * z, z)],
                        out_hbm.at[cid].at[pl.ds(sid * z, z)])

    return k(vals, idx, zeros)



def _dot(x, w):
    return jnp.dot(x, w, preferred_element_type=jnp.float32)


def _mlp3_body(a_ref, b_ref, c_ref, w1a_ref, w1b_ref, w1c_ref, b1_ref,
               w2_ref, b2_ref, res_ref, o_ref, *, out_act):
    h = (_dot(a_ref[...], w1a_ref[...]) + _dot(b_ref[...], w1b_ref[...])
         + _dot(c_ref[...], w1c_ref[...]) + b1_ref[...])
    h = _silu(h)
    o = _dot(h, w2_ref[...]) + b2_ref[...]
    if out_act == "silu":
        o = _silu(o)
    else:
        o = jnp.tanh(o)
    o_ref[...] = o + res_ref[...]


def _mlp3p_body(a_ref, bp_ref, cp_ref, w1a_ref, w1b_ref, w1c_ref, b1_ref,
                w2_ref, b2_ref, res_ref, o_ref, *, out_act):
    b = bp_ref[0] + bp_ref[1]
    c = cp_ref[0] + cp_ref[1]
    h = (_dot(a_ref[...], w1a_ref[...]) + _dot(b, w1b_ref[...])
         + _dot(c, w1c_ref[...]) + b1_ref[...])
    h = _silu(h)
    o = _dot(h, w2_ref[...]) + b2_ref[...]
    if out_act == "silu":
        o = _silu(o)
    else:
        o = jnp.tanh(o)
    o_ref[...] = o + res_ref[...]


def _mlp3_packed(a4, b4, c4, W1, b1, W2, b2, res4, out_act, block_n4,
                 pairs=False):
    n4 = a4.shape[0]
    grid = (n4 + block_n4 - 1) // block_n4
    w1a = _bd4(W1[:LATENT])
    w1b = _bd4(W1[LATENT:2 * LATENT])
    w1c = _bd4(W1[2 * LATENT:])
    w2 = _bd4(W2)
    b1t = jnp.tile(b1, 4).reshape(1, 4 * HIDDEN)
    b2t = jnp.tile(b2, 4).reshape(1, 4 * LATENT)
    row = pl.BlockSpec((block_n4, 128), lambda i: (i, 0))
    bc = pl.BlockSpec((2, block_n4, 128), lambda i: (0, i, 0)) if pairs else row
    full = lambda s: pl.BlockSpec(s, lambda i: (0,) * len(s))
    body = _mlp3p_body if pairs else _mlp3_body
    return pl.pallas_call(
        functools.partial(body, out_act=out_act),
        grid=(grid,),
        in_specs=[row, bc, bc,
                  full((128, 4 * HIDDEN)), full((128, 4 * HIDDEN)),
                  full((128, 4 * HIDDEN)), full((1, 4 * HIDDEN)),
                  full((4 * HIDDEN, 128)), full((1, 128)), row],
        out_specs=row,
        out_shape=jax.ShapeDtypeStruct((n4, 128), jnp.float32),
    )(a4, b4, c4, w1a, w1b, w1c, b1t, w2, b2t, res4)


def _score_body(a_ref, b_ref, w1a_ref, w1b_ref, b1_ref, w2_ref, b2_ref,
                lg_ref, p_ref, o_ref):
    h = jnp.tanh(
        jnp.dot(a_ref[...], w1a_ref[...], preferred_element_type=jnp.float32)
        + jnp.dot(b_ref[...], w1b_ref[...], preferred_element_type=jnp.float32)
        + b1_ref[...])
    s = jnp.dot(h, w2_ref[...], preferred_element_type=jnp.float32) + b2_ref[...]
    att = jnp.exp(lg_ref[...] + s)
    o_ref[...] = jnp.dot(att, p_ref[...], preferred_element_type=jnp.float32)


def _bs_scores(a4, b4, W1, b1, W2, b2, lg4, P, block_n4):
    n4 = a4.shape[0]
    grid = (n4 + block_n4 - 1) // block_n4
    full = lambda s: pl.BlockSpec(s, lambda i: (0,) * len(s))
    row = pl.BlockSpec((block_n4, 128), lambda i: (i, 0))
    return pl.pallas_call(
        _score_body,
        grid=(grid,),
        in_specs=[row, row,
                  full((128, 4 * HIDDEN)), full((128, 4 * HIDDEN)),
                  full((1, 4 * HIDDEN)), full((4 * HIDDEN, 4)), full((1, 4)),
                  pl.BlockSpec((block_n4, 4), lambda i: (i, 0)),
                  full((4, 128))],
        out_specs=row,
        out_shape=jax.ShapeDtypeStruct((n4, 128), jnp.float32),
    )(a4, b4, _bd4(W1[:LATENT]), _bd4(W1[LATENT:]),
      jnp.tile(b1, 4).reshape(1, 4 * HIDDEN), _bd4(W2),
      jnp.tile(b2, 4).reshape(1, 4), lg4, P)


def _pair_add_body(p_ref, o_ref):
    o_ref[...] = p_ref[0] + p_ref[1]


def _pair_add(p):
    n4 = p.shape[1]
    return pl.pallas_call(
        _pair_add_body,
        grid=(1,),
        in_specs=[pl.BlockSpec((2, n4, 128), lambda i: (0, 0, 0))],
        out_specs=pl.BlockSpec((n4, 128), lambda i: (0, 0)),
        out_shape=jax.ShapeDtypeStruct((n4, 128), jnp.float32),
    )(p)


def _attn_body(am_ref, dr_ref, nb_ref, pt_ref, q_ref, attn_ref, vnm_ref):
    att0 = jnp.dot(am_ref[...], pt_ref[...],
                   preferred_element_type=jnp.float32)
    dn = jnp.dot(dr_ref[...], pt_ref[...],
                 preferred_element_type=jnp.float32)
    attn = att0 / (1e-12 + dn)
    attn_ref[...] = attn
    bcast = jnp.dot(attn, q_ref[...], preferred_element_type=jnp.float32)
    vnm_ref[...] = bcast * nb_ref[...]


def _attn_combine(attmat4, drows4, nb04, PT, Q, block_n4):
    n4 = attmat4.shape[0]
    grid = (n4 + block_n4 - 1) // block_n4
    row = pl.BlockSpec((block_n4, 128), lambda i: (i, 0))
    full = lambda s: pl.BlockSpec(s, lambda i: (0,) * len(s))
    return pl.pallas_call(
        _attn_body,
        grid=(grid,),
        in_specs=[row, row, row, full((128, 4)), full((4, 128))],
        out_specs=(pl.BlockSpec((block_n4, 4), lambda i: (i, 0)), row),
        out_shape=(jax.ShapeDtypeStruct((n4, 4), jnp.float32),
                   jax.ShapeDtypeStruct((n4, 128), jnp.float32)),
    )(attmat4, drows4, nb04, PT, Q)


def _rowscale_body(a_ref, s_ref, q_ref, o_ref):
    bcast = jnp.dot(s_ref[...], q_ref[...], preferred_element_type=jnp.float32)
    o_ref[...] = bcast * a_ref[...]


def _rowscale(a4, s4, Q, block_n4):
    n4 = a4.shape[0]
    grid = (n4 + block_n4 - 1) // block_n4
    row = pl.BlockSpec((block_n4, 128), lambda i: (i, 0))
    full = lambda s: pl.BlockSpec(s, lambda i: (0,) * len(s))
    return pl.pallas_call(
        _rowscale_body,
        grid=(grid,),
        in_specs=[row, pl.BlockSpec((block_n4, 4), lambda i: (i, 0)),
                  full((4, 128))],
        out_specs=row,
        out_shape=jax.ShapeDtypeStruct((n4, 128), jnp.float32),
    )(a4, s4, Q)



def kernel(nodes, edges, supernodes, superedges, graph, bipartite_graph,
           bipartite_graph_attention_logits, super_graph,
           super_graph_attention, en_W1, en_b1, en_W2, en_b2, nn_W1, nn_b1,
           nn_W2, nn_b2, sn_W1, sn_b1, sn_W2, sn_b2, se_W1, se_b1, se_W2,
           se_b2, bs_W1, bs_b1, bs_W2, bs_b2):
    g0, g1 = graph[0], graph[1]
    bg0, bg1 = bipartite_graph[0], bipartite_graph[1]
    sg0, sg1 = super_graph[0], super_graph[1]
    NPAD = 50048
    SPAD = 1024

    e4 = jnp.reshape(edges, (200000, 128))
    n4 = jnp.reshape(nodes, (12500, 128))
    sup_pad = _pad_rows(supernodes, 1024)
    s4 = jnp.reshape(sup_pad, (256, 128))
    se4 = jnp.reshape(superedges, (4000, 128))
    pk = lambda x: jnp.reshape(x, (x.shape[0] // 4, 128))
    pkp = lambda x: jnp.reshape(x, (2, x.shape[1] // 4, 128))
    unpk = lambda x: jnp.reshape(x, (x.shape[0] * 4, LATENT))

    eye4 = jnp.eye(4, dtype=jnp.float32)
    P = jnp.kron(eye4, jax.nn.one_hot(0, LATENT, dtype=jnp.float32)[None, :])
    PT = P.T
    Q = jnp.kron(eye4, jnp.ones((1, LATENT), jnp.float32))

    bg0g = _pad_rows(bg0, NW * 1600, 0)
    bg0s = _pad_rows(bg0, NW * 1600, NPAD - 1)
    bg1g = _pad_rows(bg1, NW * 1600, 0)
    bg1s = _pad_rows(bg1, NW * 1600, SPAD - 1)
    sg0g = _pad_rows(sg0, NW * 512, 0)
    sg1g = _pad_rows(sg1, NW * 512, 0)
    sg1s = _pad_rows(sg1, NW * 512, SPAD - 1)

    nb0, sb1, se0 = _sc_gather_multi([(nodes, bg0g, 1600),
                                      (sup_pad, bg1g, 1600),
                                      (superedges, sg0g, 512)])
    lg4 = jnp.reshape(_pad_rows(bipartite_graph_attention_logits, NW * 1600),
                      (25600, 4))
    attmat4 = _bs_scores(pk(nb0), pk(sb1), bs_W1, bs_b1, bs_W2, bs_b2,
                         lg4, P, 1600)
    dpair = _sc_scatter_add(unpk(attmat4), bg0s, n_seg_pad=NPAD, chunk=400)
    dmat4 = _pair_add(pkp(dpair))
    drows = _sc_gather(unpk(dmat4), bg0g, chunk=1600)
    attn4, vals_nm4 = _attn_combine(attmat4, pk(drows), pk(nb0), PT, Q, 1600)

    nm_pair = _sc_scatter_add(unpk(vals_nm4), bg1s, n_seg_pad=SPAD,
                              chunk=1600)
    sga4 = jnp.reshape(_pad_rows(super_graph_attention, NW * 512), (4096, 4))
    vals_am4 = _rowscale(pk(se0), sga4, Q, 512)
    am_pair = _sc_scatter_add(unpk(vals_am4), sg1s, n_seg_pad=SPAD, chunk=512)
    sup4 = _mlp3_packed(s4, pkp(am_pair), pkp(nm_pair), sn_W1, sn_b1, sn_W2,
                        sn_b2, s4, "silu", 256, pairs=True)
    supc = unpk(sup4)

    sup_b1, sup_s0, sup_s1 = _sc_gather_multi([(supc, bg1g, 1600),
                                               (supc, sg0g, 512),
                                               (supc, sg1g, 512)])
    vals_sm4 = _rowscale(pk(sup_b1), attn4, Q, 1600)
    sm_pair = _sc_scatter_add(unpk(vals_sm4), bg0s, n_seg_pad=NPAD, chunk=400)
    em_pair = _sc_scatter_add(unpk(e4), g1, n_seg_pad=NPAD, chunk=200)
    nod4 = _mlp3_packed(n4, pkp(em_pair), pkp(sm_pair), nn_W1, nn_b1, nn_W2,
                        nn_b2, n4, "silu", 1600, pairs=True)
    nodc = unpk(nod4)

    sed4 = _mlp3_packed(pk(sup_s0)[:4000], pk(sup_s1)[:4000], se4,
                        se_W1, se_b1, se_W2, se_b2, se4, "tanh", 1000)

    x0, x1 = _sc_gather_multi([(nodc, g0, 1000), (nodc, g1, 1000)])
    edg4 = _mlp3_packed(pk(x0), pk(x1), e4, en_W1, en_b1, en_W2, en_b2,
                        e4, "tanh", 2000)

    return (nodc,
            jnp.reshape(edg4, (800000, LATENT)),
            supc[:1000],
            jnp.reshape(sed4, (16000, LATENT)))

# --- scband reference (transcript-rebuilt; emitter-appended) ---
"""Pipeline reference for scband-hierarchical-gnnblock-7559142441636 (READ-ONLY COPY).

The authoritative reference and input builder live on the scoring server;
editing this copy changes nothing except your own understanding.
"""

import jax, jax.numpy as jnp
import numpy as np

LATENT = 32
HIDDEN = 64
N_NODES = 50000
N_EDGES = 800000
N_SUPER = 1000
N_BIP = 100000
N_SEDGE = 16000

def _linear_init(key, fan_in, fan_out):
    k1, k2 = jax.random.split(key)
    lim = 1.0 / np.sqrt(fan_in)
    W = jax.random.uniform(k1, (fan_in, fan_out), minval=-lim, maxval=lim, dtype=jnp.float32)
    b = jax.random.uniform(k2, (fan_out,), minval=-lim, maxval=lim, dtype=jnp.float32)
    return W, b

def setup_inputs(seed: int = 0):
    key = jax.random.key(seed)
    ks = jax.random.split(key, 30)
    inp = {}
    inp['nodes'] = jax.random.normal(ks[0], (N_NODES, LATENT), dtype=jnp.float32)
    inp['edges'] = jax.random.normal(ks[1], (N_EDGES, LATENT), dtype=jnp.float32)
    inp['supernodes'] = jax.random.normal(ks[2], (N_SUPER, LATENT), dtype=jnp.float32)
    inp['superedges'] = jax.random.normal(ks[3], (N_SEDGE, LATENT), dtype=jnp.float32)
    inp['graph'] = jnp.stack([jax.random.randint(ks[4], (N_EDGES,), 0, N_NODES, dtype=jnp.int32),
                              jax.random.randint(ks[5], (N_EDGES,), 0, N_NODES, dtype=jnp.int32)], axis=0)
    bg1 = jax.random.randint(ks[7], (N_BIP,), 0, N_SUPER, dtype=jnp.int32).at[0].set(N_SUPER - 1)
    inp['bipartite_graph'] = jnp.stack([jax.random.randint(ks[6], (N_BIP,), 0, N_NODES, dtype=jnp.int32), bg1], axis=0)
    inp['bipartite_graph_attention_logits'] = jax.random.normal(ks[8], (N_BIP,), dtype=jnp.float32)
    inp['super_graph'] = jnp.stack([jax.random.randint(ks[9], (N_SEDGE,), 0, N_SUPER, dtype=jnp.int32),
                                    jax.random.randint(ks[10], (N_SEDGE,), 0, N_SUPER, dtype=jnp.int32)], axis=0)
    inp['super_graph_attention'] = jax.random.uniform(ks[11], (N_SEDGE, 1), dtype=jnp.float32)
    for i, nm in enumerate(['en', 'nn', 'sn', 'se']):
        W1, b1 = _linear_init(ks[12 + 2 * i], 3 * LATENT, HIDDEN)
        W2, b2 = _linear_init(ks[13 + 2 * i], HIDDEN, LATENT)
        inp[nm + '_W1'] = W1; inp[nm + '_b1'] = b1
        inp[nm + '_W2'] = W2; inp[nm + '_b2'] = b2
    W1, b1 = _linear_init(ks[20], 2 * LATENT, HIDDEN)
    W2, b2 = _linear_init(ks[21], HIDDEN, 1)
    inp['bs_W1'] = W1; inp['bs_b1'] = b1; inp['bs_W2'] = W2; inp['bs_b2'] = b2
    return inp

def _mlp(x, W1, b1, W2, b2, hidden_act, out_act):
    h = hidden_act(x @ W1 + b1)
    o = h @ W2 + b2
    if out_act is not None:
        o = out_act(o)
    return o

def reference(nodes, edges, supernodes, superedges, graph, bipartite_graph, bipartite_graph_attention_logits, super_graph, super_graph_attention, en_W1, en_b1, en_W2, en_b2, nn_W1, nn_b1, nn_W2, nn_b2, sn_W1, sn_b1, sn_W2, sn_b2, se_W1, se_b1, se_W2, se_b2, bs_W1, bs_b1, bs_W2, bs_b2):
    g0, g1 = graph[0], graph[1]
    bg0, bg1 = bipartite_graph[0], bipartite_graph[1]
    sg0, sg1 = super_graph[0], super_graph[1]
    n_nodes = nodes.shape[0]
    n_super = supernodes.shape[0]
    scores = _mlp(jnp.concatenate([nodes[bg0], supernodes[bg1]], axis=-1), bs_W1, bs_b1, bs_W2, bs_b2, jnp.tanh, None)[:, 0]
    att = jnp.exp(bipartite_graph_attention_logits + scores)
    denom = jax.ops.segment_sum(att, bg0, num_segments=n_nodes)
    att = att / (1e-12 + denom[bg0])
    att = att[:, None]
    node_messages = jax.ops.segment_sum(att * nodes[bg0], bg1, num_segments=n_super)
    attention_messages = jax.ops.segment_sum(superedges[sg0] * super_graph_attention, sg1, num_segments=n_super)
    supernodes = _mlp(jnp.concatenate([supernodes, attention_messages, node_messages], axis=-1), sn_W1, sn_b1, sn_W2, sn_b2, jax.nn.silu, jax.nn.silu) + supernodes
    supernode_messages = jax.ops.segment_sum(att * supernodes[bg1], bg0, num_segments=n_nodes)
    edge_messages = jax.ops.segment_sum(edges, g1, num_segments=n_nodes)
    nodes = _mlp(jnp.concatenate([nodes, edge_messages, supernode_messages], axis=-1), nn_W1, nn_b1, nn_W2, nn_b2, jax.nn.silu, jax.nn.silu) + nodes
    superedges = _mlp(jnp.concatenate([supernodes[sg0], supernodes[sg1], superedges], axis=-1), se_W1, se_b1, se_W2, se_b2, jax.nn.silu, jnp.tanh) + superedges
    edges = _mlp(jnp.concatenate([nodes[g0], nodes[g1], edges], axis=-1), en_W1, en_b1, en_W2, en_b2, jax.nn.silu, jnp.tanh) + edges
    return (nodes, edges, supernodes, superedges)

if __name__ == "__main__":
    import jax
    _d = setup_inputs()
    print(jax.jit(kernel)(*tuple(_d.values())))

</pallas_src>

<mosaic_0001>
#map = affine_map<(d0, d1) -> (0, 0)>
#map1 = affine_map<(d0, d1) -> (0)>
#map2 = affine_map<(d0, d1) -> (0, 0, 0)>
module attributes {stable_mosaic.version = 14 : i64} {
  func.func @k(%arg0: i32, %arg1: i32, %arg2: memref<102400x32xf32, #tpu.memory_space<hbm>>, %arg3: memref<102400xi32, #tpu.memory_space<hbm>>, %arg4: memref<50048x32xf32, #tpu.memory_space<hbm>>, %arg5: memref<2x50048x32xf32, #tpu.memory_space<hbm>>, %arg6: memref<400xi32, #tpu.memory_space<vmem>>, %arg7: memref<400xi32, #tpu.memory_space<vmem>>, %arg8: memref<400x32xf32, #tpu.memory_space<vmem>>, %arg9: memref<400x32xf32, #tpu.memory_space<vmem>>, %arg10: memref<50048x32xf32, #tpu.memory_space<vmem_shared>>, %arg11: memref<!tpu.dma_semaphore, #tpu.memory_space<semaphore_mem>>, %arg12: memref<!tpu.dma_semaphore, #tpu.memory_space<semaphore_mem>>, %arg13: memref<!tpu.dma_semaphore, #tpu.memory_space<semaphore_mem>>, %arg14: memref<!tpu.dma_semaphore, #tpu.memory_space<semaphore_mem>>) attributes {dimension_semantics = [#tpu.dimension_semantics<core_parallel>, #tpu.dimension_semantics<subcore_parallel>], iteration_bounds = array<i64: 2, 16>, scalar_prefetch = 0 : i64, scratch_operands = 9 : i64, tpu.core_type = #tpu.core_type<sc_vector_subcore>, window_params = [{transform_indices = #map}, {transform_indices = #map1}, {transform_indices = #map}, {transform_indices = #map2}]} {
    %mul3A = arith.constant 3128 : i32
    %mul3A_0 = arith.muli %arg1, %mul3A : i32
    %mul3A_1 = arith.constant 3128 : i32
    %mul3A_2 = arith.muli %arg1, %mul3A_1 : i32
    "tpu.region"() ({
      %run_scoped3A = tpu.sem_alloc : memref<!tpu.dma_semaphore, #tpu.memory_space<semaphore_mem>>
      %dma_start3A = arith.constant 0 : i32
      %dma_start3A_14 = tpu.memref_slice %arg10[%mul3A_2, %dma_start3A] : memref<50048x32xf32, #tpu.memory_space<vmem_shared>> -> memref<3128x32xf32, #tpu.memory_space<vmem_shared>>
      %dma_start3A_15 = arith.constant 0 : i32
      %dma_start3A_16 = tpu.memref_slice %arg4[%mul3A_0, %dma_start3A_15] : memref<50048x32xf32, #tpu.memory_space<hbm>> -> memref<3128x32xf32, #tpu.memory_space<hbm>>
      tpu.enqueue_dma source(%dma_start3A_16 : memref<3128x32xf32, #tpu.memory_space<hbm>>) target(%dma_start3A_14 : memref<3128x32xf32, #tpu.memory_space<vmem_shared>>) target_semaphore(%run_scoped3A : memref<!tpu.dma_semaphore, #tpu.memory_space<semaphore_mem>>)
      %dma_wait3A = arith.constant 0 : i32
      %dma_wait3A_17 = tpu.memref_slice %arg10[%mul3A_2, %dma_wait3A] : memref<50048x32xf32, #tpu.memory_space<vmem_shared>> -> memref<3128x32xf32, #tpu.memory_space<vmem_shared>>
      %dma_wait3A_18 = arith.constant 0 : i32
      %dma_wait3A_19 = tpu.memref_slice %arg4[%mul3A_0, %dma_wait3A_18] : memref<50048x32xf32, #tpu.memory_space<hbm>> -> memref<3128x32xf32, #tpu.memory_space<hbm>>
      tpu.wait_dma2 semaphore(%run_scoped3A : memref<!tpu.dma_semaphore, #tpu.memory_space<semaphore_mem>>) src(%dma_wait3A_19 : memref<3128x32xf32, #tpu.memory_space<hbm>>) dst(%dma_wait3A_17 : memref<3128x32xf32, #tpu.memory_space<vmem_shared>>)
      tpu.yield
    }) : () -> ()
    %barrier3A = arith.constant 0 : index
    tpu.barrier barrier_id(%barrier3A)
    %scan3A = arith.constant 0 : i32
    %scan3A_3 = arith.constant 0 : i32
    %scan3A_4 = arith.constant 4 : i32
    %scan3A_5 = arith.addi %scan3A_3, %scan3A_4 : i32
    %scan3A_6 = arith.constant 1 : i32
    %scan3A_7 = scf.for %scan3A_14 = %scan3A_3 to %scan3A_5 step %scan3A_6 iter_args(%scan3A_15 = %scan3A) -> (i32)  : i32 {
      %mul3A_16 = arith.constant 2 : i32
      %mul3A_17 = arith.muli %mul3A_16, %scan3A_14 : i32
      %mul3A_18 = arith.constant 2 : i32
      %mul3A_19 = arith.muli %arg1, %mul3A_18 : i32
      %add3A = arith.addi %mul3A_19, %arg0 : i32
      %mul3A_20 = arith.constant 3200 : i32
      %mul3A_21 = arith.muli %add3A, %mul3A_20 : i32
      %mul3A_22 = arith.constant 400 : i32
      %mul3A_23 = arith.muli %mul3A_17, %mul3A_22 : i32
      %add3A_24 = arith.addi %mul3A_21, %mul3A_23 : i32
      %dma_start3A = tpu.memref_slice %arg3[%add3A_24] : memref<102400xi32, #tpu.memory_space<hbm>> -> memref<400xi32, #tpu.memory_space<hbm>>
      %dma_start3A_25 = tpu.memref_slice %arg3[%add3A_24] : memref<102400xi32, #tpu.memory_space<hbm>> -> memref<400xi32, #tpu.memory_space<hbm>>
      tpu.enqueue_dma source(%dma_start3A_25 : memref<400xi32, #tpu.memory_space<hbm>>) target(%arg6 : memref<400xi32, #tpu.memory_space<vmem>>) target_semaphore(%arg11 : memref<!tpu.dma_semaphore, #tpu.memory_space<semaphore_mem>>)
      %dma_start3A_26 = arith.constant 0 : i32
      %dma_start3A_27 = tpu.memref_slice %arg2[%add3A_24, %dma_start3A_26] : memref<102400x32xf32, #tpu.memory_space<hbm>> -> memref<400x32xf32, #tpu.memory_space<hbm>>
      %dma_start3A_28 = arith.constant 0 : i32
      %dma_start3A_29 = tpu.memref_slice %arg2[%add3A_24, %dma_start3A_28] : memref<102400x32xf32, #tpu.memory_space<hbm>> -> memref<400x32xf32, #tpu.memory_space<hbm>>
      tpu.enqueue_dma source(%dma_start3A_29 : memref<400x32xf32, #tpu.memory_space<hbm>>) target(%arg8 : memref<400x32xf32, #tpu.memory_space<vmem>>) target_semaphore(%arg11 : memref<!tpu.dma_semaphore, #tpu.memory_space<semaphore_mem>>)
      %mul3A_30 = arith.constant 2 : i32
      %mul3A_31 = arith.muli %mul3A_30, %scan3A_14 : i32
      %add3A_32 = arith.constant 1 : i32
      %add3A_33 = arith.addi %mul3A_31, %add3A_32 : i32
      %mul3A_34 = arith.constant 2 : i32
      %mul3A_35 = arith.muli %arg1, %mul3A_34 : i32
      %add3A_36 = arith.addi %mul3A_35, %arg0 : i32
      %mul3A_37 = arith.constant 3200 : i32
      %mul3A_38 = arith.muli %add3A_36, %mul3A_37 : i32
      %mul3A_39 = arith.constant 400 : i32
      %mul3A_40 = arith.muli %add3A_33, %mul3A_39 : i32
      %add3A_41 = arith.addi %mul3A_38, %mul3A_40 : i32
      %dma_start3A_42 = tpu.memref_slice %arg3[%add3A_41] : memref<102400xi32, #tpu.memory_space<hbm>> -> memref<400xi32, #tpu.memory_space<hbm>>
      %dma_start3A_43 = tpu.memref_slice %arg3[%add3A_41] : memref<102400xi32, #tpu.memory_space<hbm>> -> memref<400xi32, #tpu.memory_space<hbm>>
      tpu.enqueue_dma source(%dma_start3A_43 : memref<400xi32, #tpu.memory_space<hbm>>) target(%arg7 : memref<400xi32, #tpu.memory_space<vmem>>) target_semaphore(%arg12 : memref<!tpu.dma_semaphore, #tpu.memory_space<semaphore_mem>>)
      %dma_start3A_44 = arith.constant 0 : i32
      %dma_start3A_45 = tpu.memref_slice %arg2[%add3A_41, %dma_start3A_44] : memref<102400x32xf32, #tpu.memory_space<hbm>> -> memref<400x32xf32, #tpu.memory_space<hbm>>
      %dma_start3A_46 = arith.constant 0 : i32
      %dma_start3A_47 = tpu.memref_slice %arg2[%add3A_41, %dma_start3A_46] : memref<102400x32xf32, #tpu.memory_space<hbm>> -> memref<400x32xf32, #tpu.memory_space<hbm>>
      tpu.enqueue_dma source(%dma_start3A_47 : memref<400x32xf32, #tpu.memory_space<hbm>>) target(%arg9 : memref<400x32xf32, #tpu.memory_space<vmem>>) target_semaphore(%arg12 : memref<!tpu.dma_semaphore, #tpu.memory_space<semaphore_mem>>)
      %dma_wait3A = tpu.memref_slice %arg3[%add3A_24] : memref<102400xi32, #tpu.memory_space<hbm>> -> memref<400xi32, #tpu.memory_space<hbm>>
      %dma_wait3A_48 = tpu.memref_slice %arg3[%add3A_24] : memref<102400xi32, #tpu.memory_space<hbm>> -> memref<400xi32, #tpu.memory_space<hbm>>
      tpu.wait_dma2 semaphore(%arg11 : memref<!tpu.dma_semaphore, #tpu.memory_space<semaphore_mem>>) src(%dma_wait3A_48 : memref<400xi32, #tpu.memory_space<hbm>>) dst(%arg6 : memref<400xi32, #tpu.memory_space<vmem>>)
      %dma_wait3A_49 = arith.constant 0 : i32
      %dma_wait3A_50 = tpu.memref_slice %arg2[%add3A_24, %dma_wait3A_49] : memref<102400x32xf32, #tpu.memory_space<hbm>> -> memref<400x32xf32, #tpu.memory_space<hbm>>
      %dma_wait3A_51 = arith.constant 0 : i32
      %dma_wait3A_52 = tpu.memref_slice %arg2[%add3A_24, %dma_wait3A_51] : memref<102400x32xf32, #tpu.memory_space<hbm>> -> memref<400x32xf32, #tpu.memory_space<hbm>>
      tpu.wait_dma2 semaphore(%arg11 : memref<!tpu.dma_semaphore, #tpu.memory_space<semaphore_mem>>) src(%dma_wait3A_52 : memref<400x32xf32, #tpu.memory_space<hbm>>) dst(%arg8 : memref<400x32xf32, #tpu.memory_space<vmem>>)
      %dma_start3A_53 = arith.constant 0 : i32
      %dma_start3A_54 = arith.constant 0 : i32
      %dma_start3A_55 = tpu.memref_slice %arg10[%dma_start3A_53, %dma_start3A_54] : memref<50048x32xf32, #tpu.memory_space<vmem_shared>> -> memref<50048x32xf32, #tpu.memory_space<vmem_shared>>
      tpu.enqueue_indirect_dma source(%arg8 : memref<400x32xf32, #tpu.memory_space<vmem>>) target(%dma_start3A_55 : memref<50048x32xf32, #tpu.memory_space<vmem_shared>>) offsets(%arg6 : memref<400xi32, #tpu.memory_space<vmem>>) semaphore(%arg13 : memref<!tpu.dma_semaphore, #tpu.memory_space<semaphore_mem>>) {add = true}
      %dma_wait3A_56 = tpu.memref_slice %arg3[%add3A_41] : memref<102400xi32, #tpu.memory_space<hbm>> -> memref<400xi32, #tpu.memory_space<hbm>>
      %dma_wait3A_57 = tpu.memref_slice %arg3[%add3A_41] : memref<102400xi32, #tpu.memory_space<hbm>> -> memref<400xi32, #tpu.memory_space<hbm>>
      tpu.wait_dma2 semaphore(%arg12 : memref<!tpu.dma_semaphore, #tpu.memory_space<semaphore_mem>>) src(%dma_wait3A_57 : memref<400xi32, #tpu.memory_space<hbm>>) dst(%arg7 : memref<400xi32, #tpu.memory_space<vmem>>)
      %dma_wait3A_58 = arith.constant 0 : i32
      %dma_wait3A_59 = tpu.memref_slice %arg2[%add3A_41, %dma_wait3A_58] : memref<102400x32xf32, #tpu.memory_space<hbm>> -> memref<400x32xf32, #tpu.memory_space<hbm>>
      %dma_wait3A_60 = arith.constant 0 : i32
      %dma_wait3A_61 = tpu.memref_slice %arg2[%add3A_41, %dma_wait3A_60] : memref<102400x32xf32, #tpu.memory_space<hbm>> -> memref<400x32xf32, #tpu.memory_space<hbm>>
      tpu.wait_dma2 semaphore(%arg12 : memref<!tpu.dma_semaphore, #tpu.memory_space<semaphore_mem>>) src(%dma_wait3A_61 : memref<400x32xf32, #tpu.memory_space<hbm>>) dst(%arg9 : memref<400x32xf32, #tpu.memory_space<vmem>>)
      %dma_start3A_62 = arith.constant 0 : i32
      %dma_start3A_63 = arith.constant 0 : i32
      %dma_start3A_64 = tpu.memref_slice %arg10[%dma_start3A_62, %dma_start3A_63] : memref<50048x32xf32, #tpu.memory_space<vmem_shared>> -> memref<50048x32xf32, #tpu.memory_space<vmem_shared>>
      tpu.enqueue_indirect_dma source(%arg9 : memref<400x32xf32, #tpu.memory_space<vmem>>) target(%dma_start3A_64 : memref<50048x32xf32, #tpu.memory_space<vmem_shared>>) offsets(%arg7 : memref<400xi32, #tpu.memory_space<vmem>>) semaphore(%arg14 : memref<!tpu.dma_semaphore, #tpu.memory_space<semaphore_mem>>) {add = true}
      %dma_wait3A_65 = arith.constant 0 : i32
      %dma_wait3A_66 = arith.constant 0 : i32
      %dma_wait3A_67 = tpu.memref_slice %arg10[%dma_wait3A_65, %dma_wait3A_66] : memref<50048x32xf32, #tpu.memory_space<vmem_shared>> -> memref<50048x32xf32, #tpu.memory_space<vmem_shared>>
      tpu.wait_indirect_dma semaphore(%arg13 : memref<!tpu.dma_semaphore, #tpu.memory_space<semaphore_mem>>) src(%arg8 : memref<400x32xf32, #tpu.memory_space<vmem>>) dst(%dma_wait3A_67 : memref<50048x32xf32, #tpu.memory_space<vmem_shared>>)
      %dma_wait3A_68 = arith.constant 0 : i32
      %dma_wait3A_69 = arith.constant 0 : i32
      %dma_wait3A_70 = tpu.memref_slice %arg10[%dma_wait3A_68, %dma_wait3A_69] : memref<50048x32xf32, #tpu.memory_space<vmem_shared>> -> memref<50048x32xf32, #tpu.memory_space<vmem_shared>>
      tpu.wait_indirect_dma semaphore(%arg14 : memref<!tpu.dma_semaphore, #tpu.memory_space<semaphore_mem>>) src(%arg9 : memref<400x32xf32, #tpu.memory_space<vmem>>) dst(%dma_wait3A_70 : memref<50048x32xf32, #tpu.memory_space<vmem_shared>>)
      %scan3A_71 = arith.constant 0 : i32
      scf.yield %scan3A_71 : i32
    }
    %scan3A_8 = arith.constant 4 : i32
    %barrier3A_9 = arith.constant 0 : index
    tpu.barrier barrier_id(%barrier3A_9)
    %mul3A_10 = arith.constant 3128 : i32
    %mul3A_11 = arith.muli %arg1, %mul3A_10 : i32
    %mul3A_12 = arith.constant 3128 : i32
    %mul3A_13 = arith.muli %arg1, %mul3A_12 : i32
    "tpu.region"() ({
      %run_scoped3A = tpu.sem_alloc : memref<!tpu.dma_semaphore, #tpu.memory_space<semaphore_mem>>
      %dma_start3A = arith.constant 0 : i32
      %dma_start3A_14 = arith.constant 0 : i32
      %dma_start3A_15 = tpu.memref_slice %arg5[%arg0, %dma_start3A, %dma_start3A_14] : memref<2x50048x32xf32, #tpu.memory_space<hbm>> -> memref<1x50048x32xf32, #tpu.memory_space<hbm>>
      %dma_start3A_16 = tpu.memref_squeeze %dma_start3A_15 : memref<1x50048x32xf32, #tpu.memory_space<hbm>> -> memref<50048x32xf32, #tpu.memory_space<hbm>>
      %dma_start3A_17 = arith.constant 0 : i32
      %dma_start3A_18 = tpu.memref_slice %dma_start3A_16[%mul3A_13, %dma_start3A_17] : memref<50048x32xf32, #tpu.memory_space<hbm>> -> memref<3128x32xf32, #tpu.memory_space<hbm>>
      %dma_start3A_19 = arith.constant 0 : i32
      %dma_start3A_20 = tpu.memref_slice %arg10[%mul3A_11, %dma_start3A_19] : memref<50048x32xf32, #tpu.memory_space<vmem_shared>> -> memref<3128x32xf32, #tpu.memory_space<vmem_shared>>
      tpu.enqueue_dma source(%dma_start3A_20 : memref<3128x32xf32, #tpu.memory_space<vmem_shared>>) target(%dma_start3A_18 : memref<3128x32xf32, #tpu.memory_space<hbm>>) target_semaphore(%run_scoped3A : memref<!tpu.dma_semaphore, #tpu.memory_space<semaphore_mem>>)
      %dma_wait3A = arith.constant 0 : i32
      %dma_wait3A_21 = arith.constant 0 : i32
      %dma_wait3A_22 = tpu.memref_slice %arg5[%arg0, %dma_wait3A, %dma_wait3A_21] : memref<2x50048x32xf32, #tpu.memory_space<hbm>> -> memref<1x50048x32xf32, #tpu.memory_space<hbm>>
      %dma_wait3A_23 = tpu.memref_squeeze %dma_wait3A_22 : memref<1x50048x32xf32, #tpu.memory_space<hbm>> -> memref<50048x32xf32, #tpu.memory_space<hbm>>
      %dma_wait3A_24 = arith.constant 0 : i32
      %dma_wait3A_25 = tpu.memref_slice %dma_wait3A_23[%mul3A_13, %dma_wait3A_24] : memref<50048x32xf32, #tpu.memory_space<hbm>> -> memref<3128x32xf32, #tpu.memory_space<hbm>>
      %dma_wait3A_26 = arith.constant 0 : i32
      %dma_wait3A_27 = tpu.memref_slice %arg10[%mul3A_11, %dma_wait3A_26] : memref<50048x32xf32, #tpu.memory_space<vmem_shared>> -> memref<3128x32xf32, #tpu.memory_space<vmem_shared>>
      tpu.wait_dma2 semaphore(%run_scoped3A : memref<!tpu.dma_semaphore, #tpu.memory_space<semaphore_mem>>) src(%dma_wait3A_27 : memref<3128x32xf32, #tpu.memory_space<vmem_shared>>) dst(%dma_wait3A_25 : memref<3128x32xf32, #tpu.memory_space<hbm>>)
      tpu.yield
    }) : () -> ()
    return
  }
}

</mosaic_0001>

<sc_bundles>
// kernel: _sc_scatter_add.3.cloned.1.call-start
scs
__scs_entry_jumppad:
0x0: {  	(pc) =	sbr.rel $0x88, $3  }
0x1: {  	(tag) =	ssettag $0x0;
	lr =	simm.s32 $0x1  }
0x2: {  	[smem:$0x3F9F] =	sst lr;
	_ =	strace $0xD0000000  }
0x3: {  	_ = 	snop  }
0x4: {  	_ = 	snop  }
0x5: {  	_ = 	snop  }
0x6: {  	_ = 	snop  }
0x7: {  	_ = 	snop  }
__scs_overlays_trampoline_lowered:
0x8: {  	[smem:$0x3FAE] =	sst s0  }
0x9: {  	[smem:$0x3FAF] =	sst s1  }
0xa: {  	[smem:$0x3FB0] =	sst s2  }
0xb: {  	[smem:$0x3FB1] =	sst s3  }
0xc: {  	[smem:$0x3FB2] =	sst s4  }
0xd: {  	[smem:$0x3FB3] =	sst s5  }
0xe: {  	[smem:$0x3FB4] =	sst s6  }
0xf: {  	[smem:$0x3FB5] =	sst s7  }
0x10: {  	[smem:$0x3FB6] =	sst s8  }
0x11: {  	[smem:$0x3FB7] =	sst s9;
	s0 =	simm.s32 @!p0 $0x0  }
0x12: {  	s1 =	sld [smem:$0x3F9D];
	s0 =	simm.s32 @p0 $0x1  }
0x13: {  	[smem:$0x3FB8] =	sst s0;
	s0 =	simm.s32 @!p1 $0x0  }
0x14: {  	s2 =	sld [smem:$0x3F9C];
	s0 =	simm.s32 @p1 $0x1  }
0x15: {  	[smem:$0x3FB9] =	sst s0;
	s0 =	simm.s32 @!p2 $0x0  }
0x16: {  	s3 =	sld [smem:$0x3FDB];
	s0 =	simm.s32 @p2 $0x1  }
0x17: {  	s4 =	simm.s32 $0x1BF5;
	[smem:$0x3FBB] =	sst s0  }
0x18: {  	s0 =	sld [smem:$0x3F9E];
	_ =	swait.ge [sflag:s4], $0x0  }
0x19: {  	s7 =	sld [smem:$0x3F9F]  }
0x1a: {  	s8 =	sadd.s32 $0xFFFFE003, lr  }
0x1b: {  	s9 =	sadd.s32 $0xFFFFFEF7, lr;
	s5 =	simm.s32 $0xFFFFFFFF;
	p2 =	slt.u32 s8, $0xFFFFF086  }
0x1c: {  	p1 =	slt.u32 s9, $0xF7A;
	s5 =	simm.s32 @!p2 $0x0  }
0x1d: {  	s5 =	simm.s32 @p1 $0x1;
	p0 =	seq.s32 s7, s2  }
0x1e: {  	s7 =	smul.u32 @!p0 $0xF7A, s2;
	p2 =	seq.s32 @!p0 s5, $0x0  }
0x1f: {  	s9 =	smul.u32 $0xF7A, s1;
	s8 =	simm.s32 @!p0 $0x1BF5;
	p2 =	por !p2, p0  }
0x20: {  	[sflag:s8] =	ssyncset.s32 @!p0 $0xFFFFF086;
	s6 =	sadd.s32 @!p0 s3, s7;
	s7 =	simm.s32 @!p0 $0x108  }
0x21: {  	s3 =	sadd.s32 s3, s9;
	s6 =	sadd.s32 @!p0 $0x88, s6;
	s7 =	simm.s32 @p2 $0x1082  }
0x22: {  	[simem:s7], [sflag:s8] =	dma.local @!p0 [hbm:s6], $0xF7A  }
0x23: {  	s9 =	sor.u32 $0xD0000000, s2;
	s6 =	simm.s32 $0x108;
	_ =	swait.ge @!p0 [sflag:s8], $0x0  }
0x24: {  	s3 =	sadd.s32 $0x88, s3;
	s6 =	simm.s32 @!p1 $0x1082;
	[sflag:s4] =	ssyncset.s32 $0xFFFFF086  }
0x25: {  	[simem:s6], [sflag:s4] =	dma.local [hbm:s3], $0xF7A  }
0x26: {  	[smem:$0x3F9F] =	sst s1;
	(tag) =	ssettag s2;
	_ =	strace s9  }
0x27: {  	s1 =	sld [smem:$0x3FAF]  }
0x28: {  	s2 =	sld [smem:$0x3FB0]  }
0x29: {  	s4 =	sld [smem:$0x3FB2]  }
0x2a: {  	p0 =	seq.s32 s5, $0x0;
	s5 =	sld [smem:$0x3FB3]  }
0x2b: {  	s6 =	sld [smem:$0x3FB4]  }
0x2c: {  	s7 =	sld [smem:$0x3FB5]  }
0x2d: {  	s3 =	simm.s32 $0x108;
	s8 =	sld [smem:$0x3FB6]  }
0x2e: {  	s3 =	simm.s32 @!p0 $0x1082;
	s9 =	sld [smem:$0x3FB7]  }
0x2f: {  	lr =	sadd.s32 s0, s3;
	s0 =	sld [smem:$0x3FAE]  }
0x30: {  	s3 =	sld [smem:$0x3FB1]  }
0x31: {  	[smem:$0x3FBA] =	sst s10  }
0x32: {  	s10 =	sld [smem:$0x3FB8];
	_ =	sdelay $0x3  }
0x33: {  	p0 =	seq.s32 s10, $0x1;
	s10 =	sld [smem:$0x3FBA];
	_ =	sdelay $0x3  }
0x34: {  	[smem:$0x3FBA] =	sst s10  }
0x35: {  	s10 =	sld [smem:$0x3FB9];
	_ =	sdelay $0x3  }
0x36: {  	p1 =	seq.s32 s10, $0x1;
	s10 =	sld [smem:$0x3FBA];
	_ =	sdelay $0x3  }
0x37: {  	[smem:$0x3FBA] =	sst s10  }
0x38: {  	s10 =	sld [smem:$0x3FBB]  }
0x39: {  	_ = 	snop;
	(pc) =	sbr.ind lr, $3  }
0x3a: {  	_ = 	snop  }
0x3b: {  	_ = 	snop  }
0x3c: {  	p2 =	seq.s32 s10, $0x1;
	s10 =	sld [smem:$0x3FBA]  }
0x3d: {  	_ =	shalt  }
0x3e: {  	_ =	shalt  }
0x3f: {  	_ =	shalt  }
0x40: {  	_ =	shalt  }
0x41: {  	_ =	shalt  }
0x42: {  	_ =	shalt  }
0x43: {  	_ =	shalt  }
0x44: {  	_ =	shalt  }
0x45: {  	_ =	shalt  }
0x46: {  	_ =	shalt  }
0x47: {  	_ =	shalt  }
0x48: {  	_ =	shalt  }
0x49: {  	_ =	shalt  }
0x4a: {  	_ =	shalt  }
0x4b: {  	_ =	shalt  }
0x4c: {  	_ =	shalt  }
0x4d: {  	_ =	shalt  }
0x4e: {  	_ =	shalt  }
0x4f: {  	_ =	shalt  }
0x50: {  	_ =	shalt  }
0x51: {  	_ =	shalt  }
0x52: {  	_ =	shalt  }
0x53: {  	_ =	shalt  }
0x54: {  	_ =	shalt  }
0x55: {  	_ =	shalt  }
0x56: {  	_ =	shalt  }
0x57: {  	_ =	shalt  }
0x58: {  	_ =	shalt  }
0x59: {  	_ =	shalt  }
0x5a: {  	_ =	shalt  }
0x5b: {  	_ =	shalt  }
0x5c: {  	_ =	shalt  }
0x5d: {  	_ =	shalt  }
0x5e: {  	_ =	shalt  }
0x5f: {  	_ =	shalt  }
0x60: {  	_ =	shalt  }
0x61: {  	_ =	shalt  }
0x62: {  	_ =	shalt  }
0x63: {  	_ =	shalt  }
0x64: {  	_ =	shalt  }
0x65: {  	_ =	shalt  }
0x66: {  	_ =	shalt  }
0x67: {  	_ =	shalt  }
0x68: {  	_ =	shalt  }
0x69: {  	_ =	shalt  }
0x6a: {  	_ =	shalt  }
0x6b: {  	_ =	shalt  }
0x6c: {  	_ =	shalt  }
0x6d: {  	_ =	shalt  }
0x6e: {  	_ =	shalt  }
0x6f: {  	_ =	shalt  }
0x70: {  	_ =	shalt  }
0x71: {  	_ =	shalt  }
0x72: {  	_ =	shalt  }
0x73: {  	_ =	shalt  }
0x74: {  	_ =	shalt  }
0x75: {  	_ =	shalt  }
0x76: {  	_ =	shalt  }
0x77: {  	_ =	shalt  }
0x78: {  	_ =	shalt  }
0x79: {  	_ =	shalt  }
0x7a: {  	_ =	shalt  }
0x7b: {  	_ =	shalt  }
0x7c: {  	_ =	shalt  }
0x7d: {  	_ =	shalt  }
0x7e: {  	_ =	shalt  }
0x7f: {  	_ =	shalt  }
0x80: {  	_ =	shalt  }
0x81: {  	_ =	shalt  }
0x82: {  	_ =	shalt  }
0x83: {  	_ =	shalt  }
0x84: {  	_ =	shalt  }
0x85: {  	_ =	shalt  }
0x86: {  	_ =	shalt  }
0x87: {  	_ =	shalt  }
.Lfunc_end0:
.L_simem_size_0:
called_computation_lowered:
.L_overlay_start_0:
0x88: {  	s2 =	sld [smem:$0x3FD9]  }
0x89: {  	s3 =	sld [smem:$0x3FFE];
	_ =	sdelay $0x1  }
0x8a: {  	s1 =	srdreg.scid  }
0x8b: {  	s0 =	sand.u32 $0x1, s1  }
0x8c: {  	s17 =	sshll.u32 s0, $0xA;
	s2 =	sadd.s32 s3, s2  }
0x8d: {  	s2 =	sadd.s32 s2, s17  }
0x8e: {  	[smem:$0x3FC6] =	sst s2  }
0x8f: {  	_ = 	snop  }
0x90: {  	s2 =	sld [smem:$0x3FC8]  }
0x91: {  	s18 =	sld [smem:$0x3FD0];
	(tm) =	ssettm $0x1  }
0x92: {  	s4 =	sld [smem:$0x3FFB];
	_ =	sdelay $0x3  }
0x93: {  	_ =	strace s4  }
0x94: {  	s4 =	sld [smem:$0x3FFC];
	_ =	sdelay $0x3  }
0x95: {  	_ =	strace s4  }
0x96: {  	s4 =	sld [smem:$0x3FFD];
	_ =	sdelay $0x3  }
0x97: {  	_ =	strace s4  }
0x98: {  	_ =	strace $0x8FFFFFFF  }
0x99: {  	s19 =	sld [smem:$0x3FDB];
	_ =	sdelay $0x1  }
0x9a: {  	s5 =	simm.s32 $_scs_section_size  }
0x9b: {  	s6 =	simm.s32 $_size__tile_overlayer_lowered;
	s7 =	simm.s32 $_tile_overlayer_lowered  }
0x9c: {  	s22 =	simm.s32 $0x1BFF;
	s21 =	sshll.u32 s7, $0x1;
	s4 =	sadd.s32 s5, s19  }
0x9d: {  	s8 =	simm.s32 $0x0;
	s20 =	sshll.u32 s6, $0x1;
	s6 =	sadd.s32 s21, s4  }
0x9e: {  	[timem:s8], [sflag:s22] =	dma.local [hbm:s6], s20  }
0x9f: {  	_ =	swait.ge [sflag:s22], s20  }
0xa0: {  	s5 =	ssub.s32 $0x0, s20;
	[sflag:s22] =	ssyncset.done $0x0  }
0xa1: {  	[sflag:s22] =	ssyncadd.s32 s5;
	_ =	sdelay $0x1  }
0xa2: {  	s23 =	simm.s32 $0x1B8B  }
0xa3: {  	_ =	swait.ge [sflag:s23], $0x1  }
0xa4: {  	[sflag:s23] =	ssyncset.done $0x0  }
0xa5: {  	s25 =	simm.s32 $0x1B8E;
	s24 =	sld [smem:$0x3FFE];
	[sflag:s23] =	ssyncadd.s32 $0xFFFFFFFF  }
0xa6: {  	s26 =	simm.s32 $execute0_lowered;
	[smem:$0x3FD2] =	sst s25  }
0xa7: {  	s6 =	sshll.u32 s26, $0x1;
	_ =	strace $0x80000046;
	[dreg:$0x1] =	wrdreg $0xFFFFFFFF  }
0xa8: {  	s28 =	simm.s32 $_size_execute0_lowered;
	s4 =	sadd.s32 s4, s6;
	[dreg:$0x0] =	wrdreg $0x0  }
0xa9: {  	s6 =	sshll.u32 s28, $0x1;
	[dreg:$0x2] =	wrdreg s4  }
0xaa: {  	[dreg:$0x3] =	wrdreg s6  }
0xab: {  	[dreg:$0x4] =	wrdreg $0xC0  }
0xac: {  	_ =	task [dreg:s8], $0x5FFFF  }
0xad: {  	[dreg:$0x1] =	wrdreg $0xFFFFFFFF  }
0xae: {  	[dreg:$0x0] =	wrdreg $0x60  }
0xaf: {  	[dreg:$0x2] =	wrdreg s24  }
0xb0: {  	[dreg:$0x3] =	wrdreg s2  }
0xb1: {  	[dreg:$0x4] =	wrdreg s18  }
0xb2: {  	[dreg:$0x5] =	wrdreg $0x67200  }
0xb3: {  	[dreg:$0x6] =	wrdreg $0x9  }
0xb4: {  	_ =	task.clear_ibuf [dreg:s8], $0x7FFFF;
	_ =	strace $0x90000046  }
0xb5: {  	s29 =	simm.s32 $0x9;
	_ =	strace $0x80000048  }
0xb6: {  	_ =	swait.ge [sflag:s29], $0x1  }
0xb7: {  	[sflag:s29] =	ssyncadd.s32 $0xFFFFFFFF  }
0xb8: {  	_ =	strace $0x90000048  }
0xb9: {  	_ =	sfence  }
0xba: {  	s30 =	sld [smem:$0x0];
	_ =	sdelay $0x2  }
0xbb: {  	s31 =	sshll.u32 s1, $0xD;
	s1 =	sshrl.u32 s1, $0x2  }
0xbc: {  	s3 =	sand.u32 $0x4000, s31;
	s1 =	sadd.s32 s1, s30  }
0xbd: {  	s0 =	sor.u32 s3, s0;
	s1 =	sshll.u32 s1, $0x11  }
0xbe: {  	s0 =	sor.u32 s1, s0  }
0xbf: {  	s0 =	sadd.s32 $0x8F2B, s0  }
0xc0: {  	[sflag:s0] =	ssyncadd.remote.s32 $0x1  }
0xc1: {  	_ =	sfence.sel $0xFFFF  }
0xc2: {  	[dreg:$0x0] =	wrdreg $0xFFFFFFFF;
	(pc) =	sbr.abs _section_cstart, $3  }
0xc3: {  	[dreg:$0x1] =	wrdreg $0xFFFFFFFF  }
0xc4: {  	_ =	task.clear_ibuf [dreg:s8], $0x2FFFF;
	_ =	strace $0x9FFFFFFF  }
0xc5: {  	(tm) =	ssettm $0x7FFFFFFF  }
tec
execute0_lowered:
.L_overlay_start_1:
0x0: {  	(tag) =	ssettag $0x1  }
0x1: {  	s4 =	rddreg [dreg:$0x0]  }
0x2: {  	s10 =	rddreg [dreg:$0x1]  }
0x3: {  	s6 =	rddreg [dreg:$0x2]  }
0x4: {  	s2 =	rddreg [dreg:$0x3]  }
0x5: {  	s0 =	rddreg [dreg:$0x4]  }
0x6: {  	s3 =	simm.s32 $0x0;
	s1 =	stileid.u32;
	s5 =	srdreg.scid  }
0x7: {  	s16 =	simm.s32 $0x1;
	s17 =	simm.s32 $0x2;
	s7 =	smul.u32 $0x18700, s1  }
0x8: {  	s18 =	simm.s32 $0x3;
	s19 =	simm.s32 $0x4;
	s12 =	smul.u32 $0x1900, s1  }
0x9: {  	[smem:$0x7FF] =	sst s3;
	s8 =	sand.u32 $0x1, s5;
	s15 =	smul.u32 $0x6400, s1  }
0xa: {  	s9 =	sadd.s32 $0x190400, s4;
	s24 =	sshll.u32 s1, $0x6;
	s13 =	smul.u32 $0xC80, s8  }
0xb: {  	_ =	strace $0x80000047;
	s5 =	ssub.s32 $0x2, s8;
	s25 =	smul.u32 $0x30E00, s8  }
0xc: {  	s28 =	smul.u32 $0x3200, s8;
	s20 =	sshrl.u32 s7, $0x3;
	s11 =	sshrl.u32 s5, $0x1  }
0xd: {  	s14 =	sadd.s32 s7, s2;
	s30 =	sadd.s32 s15, s9;
	s15 =	simm.s32 $0x3520  }
0xe: {  	s4 =	sadd.s32 s20, s4;
	s11 =	ssub.s32 s5, s11;
	s5 =	sor.u32 $0x1C05, s24  }
0xf: {  	s12 =	sadd.s32 s13, s12;
	s21 =	sadd.s32 s6, s25;
	s4 =	sadd.s32 $0x400, s4  }
0x10: {  	s13 =	sadd.s32 $0x190, s12;
	s6 =	smax.u32 s11, $0x1;
	s31 =	sshrl.u32 s12, $0x3  }
0x11: {  	s11 =	sshrl.u32 s14, $0x3;
	s12 =	simm.s32 $0x5;
	s14 =	simm.s32 $0x190  }
0x12: {  	s20 =	sadd.s32 s20, s21;
	s21 =	simm.s32 $0x0;
	s26 =	sshrl.u32 s13, $0x3  }
0x13: {  	s29 =	sshll.u32 s13, $0x2;
	s13 =	simm.s32 $0x320;
	s7 =	sadd.s32 s26, s10  }
0x14: {  	s8 =	sadd.s32 s29, s9;
	s9 =	sadd.s32 s28, s30;
	s10 =	sadd.s32 s31, s10  }
.LBB2_1:
0x15: {  	[spmem:s11], [sflag:s5] =	dma.local [hbm:s4], $0x30E0  }
0x16: {  	_ =	swait.ge [sflag:s12], $0x30E0  }
0x17: {  	[sflag:s12] =	ssyncset.done $0x0  }
0x18: {  	[sflag:s12] =	ssyncadd.s32 $0xFFFFCF20  }
0x19: {  	s22 =	sadd.s32 $0x0, s10;
	[bflag:$0x0] =	sbarrier.arrive $0xFFFF  }
0x1a: {  	[tilespmem:s3], [sflag:$0x1] =	stream.linear.gather [hbm4b:s22+s3], $0x190, $0x38;
	[tilespmem:$0x1EE20] =	vst v63  }
0x1b: {  	_ = 	snop  }
0x1c: {  	[tilespmem:s13], [sflag:$0x1] =	stream.linear.gather [hbm4b:s9+s3], $0x3200, $0x38;
	[tilespmem:$0x1EE20] =	vst v63  }
0x1d: {  	s31 =	sadd.s32 $0x0, s7  }
0x1e: {  	[tilespmem:s14], [sflag:$0x2] =	stream.linear.gather [hbm4b:s31+s3], $0x190, $0x38;
	[tilespmem:$0x1EE20] =	vst v63  }
0x1f: {  	_ = 	snop  }
0x20: {  	[tilespmem:s15], [sflag:$0x2] =	stream.linear.gather [hbm4b:s8+s3], $0x3200, $0x38;
	[tilespmem:$0x1EE20] =	vst v63  }
0x21: {  	_ =	swait.ge [sflag:s16], $0x190  }
0x22: {  	[sflag:s16] =	ssyncset.done $0x0  }
0x23: {  	[sflag:s16] =	ssyncadd.s32 $0xFFFFFE70  }
0x24: {  	_ =	swait.ge [sflag:s16], $0x3200  }
0x25: {  	[sflag:s16] =	ssyncset.done $0x0  }
0x26: {  	[sflag:s16] =	ssyncadd.s32 $0xFFFFCE00  }
0x27: {  	[spmem:s2] =	stream.indirect.scatter.add.f32 [tilespmem:s13], [sflag:$0x3], $0x20, s3, s14, $0xb8;
	[tilespmem:$0x1EE20] =	vst v63  }
0x28: {  	_ =	swait.ge [sflag:s17], $0x190  }
0x29: {  	[sflag:s17] =	ssyncset.done $0x0  }
0x2a: {  	[sflag:s17] =	ssyncadd.s32 $0xFFFFFE70  }
0x2b: {  	_ =	swait.ge [sflag:s17], $0x3200  }
0x2c: {  	[sflag:s17] =	ssyncset.done $0x0  }
0x2d: {  	[sflag:s17] =	ssyncadd.s32 $0xFFFFCE00  }
0x2e: {  	[spmem:s2] =	stream.indirect.scatter.add.f32 [tilespmem:s15], [sflag:$0x4], $0x20, s14, s14, $0xb8;
	[tilespmem:$0x1EE20] =	vst v63  }
0x2f: {  	_ =	swait.ge [sflag:s18], $0x3200  }
0x30: {  	[sflag:s18] =	ssyncset.done $0x0  }
0x31: {  	[sflag:s18] =	ssyncadd.s32 $0xFFFFCE00  }
0x32: {  	s25 =	simm.s32 $0xC8;
	s23 =	sadd.s32 $0xC80, s8;
	_ =	swait.ge [sflag:s19], $0x3200  }
0x33: {  	s24 =	sadd.s32 $0xC80, s9;
	s22 =	simm.s32 $0x64;
	[sflag:s19] =	ssyncset.done $0x0  }
.LBB2_2:
0x34: {  	s26 =	sadd.s32 s22, s10  }
0x35: {  	[sflag:s19] =	ssyncadd.s32 $0xFFFFCE00;
	s28 =	smov.u32 s25;
	s29 =	sadd.s32 $0x64, s25  }
0x36: {  	[tilespmem:s3], [sflag:$0x1] =	stream.linear.gather [hbm4b:s26+s3], $0x190, $0x38;
	[tilespmem:$0x1EE20] =	vst v63  }
0x37: {  	p0 =	sne.s32 s25, $0x12C  }
0x38: {  	[tilespmem:s13], [sflag:$0x1] =	stream.linear.gather [hbm4b:s24+s3], $0x3200, $0x38;
	[tilespmem:$0x1EE20] =	vst v63  }
0x39: {  	s25 =	sadd.s32 s22, s7;
	s22 =	smov.u32 s28  }
0x3a: {  	[tilespmem:s14], [sflag:$0x2] =	stream.linear.gather [hbm4b:s25+s3], $0x190, $0x38;
	[tilespmem:$0x1EE20] =	vst v63  }
0x3b: {  	_ = 	snop  }
0x3c: {  	[tilespmem:s15], [sflag:$0x2] =	stream.linear.gather [hbm4b:s23+s3], $0x3200, $0x38;
	[tilespmem:$0x1EE20] =	vst v63  }
0x3d: {  	_ =	swait.ge [sflag:s16], $0x190  }
0x3e: {  	[sflag:s16] =	ssyncset.done $0x0  }
0x3f: {  	[sflag:s16] =	ssyncadd.s32 $0xFFFFFE70  }
0x40: {  	_ =	swait.ge [sflag:s16], $0x3200  }
0x41: {  	[sflag:s16] =	ssyncset.done $0x0  }
0x42: {  	[sflag:s16] =	ssyncadd.s32 $0xFFFFCE00  }
0x43: {  	[spmem:s2] =	stream.indirect.scatter.add.f32 [tilespmem:s13], [sflag:$0x3], $0x20, s3, s14, $0xb8;
	[tilespmem:$0x1EE20] =	vst v63  }
0x44: {  	_ =	swait.ge [sflag:s17], $0x190  }
0x45: {  	[sflag:s17] =	ssyncset.done $0x0  }
0x46: {  	[sflag:s17] =	ssyncadd.s32 $0xFFFFFE70  }
0x47: {  	_ =	swait.ge [sflag:s17], $0x3200  }
0x48: {  	[sflag:s17] =	ssyncset.done $0x0  }
0x49: {  	[sflag:s17] =	ssyncadd.s32 $0xFFFFCE00  }
0x4a: {  	[spmem:s2] =	stream.indirect.scatter.add.f32 [tilespmem:s15], [sflag:$0x4], $0x20, s14, s14, $0xb8;
	[tilespmem:$0x1EE20] =	vst v63  }
.Ltmp0:
0x4b: {  	_ =	swait.ge [sflag:s18], $0x3200;
	(pc) =	sbr.rel @p0 .LBB2_2-.Ltmp0, $4  }
0x4c: {  	[sflag:s18] =	ssyncset.done $0x0  }
0x4d: {  	[sflag:s18] =	ssyncadd.s32 $0xFFFFCE00  }
0x4e: {  	s24 =	sadd.s32 $0xC80, s24;
	_ =	swait.ge [sflag:s19], $0x3200  }
0x4f: {  	s25 =	smov.u32 s29;
	s23 =	sadd.s32 $0xC80, s23;
	[sflag:s19] =	ssyncset.done $0x0  }
0x50: {  	s25 =	sadd.s32 s22, s10;
	[sflag:s19] =	ssyncadd.s32 $0xFFFFCE00  }
0x51: {  	[tilespmem:s3], [sflag:$0x1] =	stream.linear.gather [hbm4b:s25+s3], $0x190, $0x38;
	[tilespmem:$0x1EE20] =	vst v63  }
0x52: {  	_ = 	snop  }
0x53: {  	[tilespmem:s13], [sflag:$0x1] =	stream.linear.gather [hbm4b:s24+s3], $0x3200, $0x38;
	[tilespmem:$0x1EE20] =	vst v63  }
0x54: {  	s31 =	sadd.s32 s22, s7  }
0x55: {  	[tilespmem:s14], [sflag:$0x2] =	stream.linear.gather [hbm4b:s31+s3], $0x190, $0x38;
	[tilespmem:$0x1EE20] =	vst v63  }
0x56: {  	_ = 	snop  }
0x57: {  	[tilespmem:s15], [sflag:$0x2] =	stream.linear.gather [hbm4b:s23+s3], $0x3200, $0x38;
	[tilespmem:$0x1EE20] =	vst v63  }
0x58: {  	_ =	swait.ge [sflag:s16], $0x190  }
0x59: {  	[sflag:s16] =	ssyncset.done $0x0  }
0x5a: {  	[sflag:s16] =	ssyncadd.s32 $0xFFFFFE70  }
0x5b: {  	_ =	swait.ge [sflag:s16], $0x3200  }
0x5c: {  	[sflag:s16] =	ssyncset.done $0x0  }
0x5d: {  	[sflag:s16] =	ssyncadd.s32 $0xFFFFCE00  }
0x5e: {  	[spmem:s2] =	stream.indirect.scatter.add.f32 [tilespmem:s13], [sflag:$0x3], $0x20, s3, s14, $0xb8;
	[tilespmem:$0x1EE20] =	vst v63  }
0x5f: {  	_ =	swait.ge [sflag:s17], $0x190  }
0x60: {  	[sflag:s17] =	ssyncset.done $0x0  }
0x61: {  	[sflag:s17] =	ssyncadd.s32 $0xFFFFFE70  }
0x62: {  	_ =	swait.ge [sflag:s17], $0x3200  }
0x63: {  	[sflag:s17] =	ssyncset.done $0x0  }
0x64: {  	[sflag:s17] =	ssyncadd.s32 $0xFFFFCE00  }
0x65: {  	[spmem:s2] =	stream.indirect.scatter.add.f32 [tilespmem:s15], [sflag:$0x4], $0x20, s14, s14, $0xb8;
	[tilespmem:$0x1EE20] =	vst v63  }
0x66: {  	_ =	swait.ge [sflag:s18], $0x3200  }
0x67: {  	[sflag:s18] =	ssyncset.done $0x0  }
0x68: {  	[sflag:s18] =	ssyncadd.s32 $0xFFFFCE00  }
0x69: {  	_ =	swait.ge [sflag:s19], $0x3200  }
0x6a: {  	s21 =	sadd.s32 $0x1, s21;
	[sflag:s19] =	ssyncset.done $0x0  }
0x6b: {  	p0 =	sne.s32 s21, s6;
	[sflag:s19] =	ssyncadd.s32 $0xFFFFCE00  }
.Ltmp1:
0x6c: {  	[bflag:$0x0] =	sbarrier.arrive $0xFFFF;
	(pc) =	sbr.rel @p0 .LBB2_1-.Ltmp1, $4  }
0x6d: {  	[hbm:s20], [sflag:s5] =	dma.local [spmem:s11], $0x30E0  }
0x6e: {  	_ =	swait.ge [sflag:s12], $0x30E0  }
0x6f: {  	[sflag:s12] =	ssyncset.done $0x0  }
0x70: {  	[sflag:s12] =	ssyncadd.s32 $0xFFFFCF20  }
0x71: {  	_ =	sfence.sel $0x180000  }
0x72: {  	[bflag:$0x0] =	sbarrier.arrive $0xFFFF  }
0x73: {  	p0 =	sne.s32 s1, $0x0;
	_ =	strace $0x90000047  }
0x74: {  	s0 =	sadd.s32 @!p0 $0x100000, s0;
	[bflag:$0x2] =	sbarrier.arrive $0xFFFF  }
0x75: {  	[sflag:s0] =	ssyncadd.tile.s32 @!p0 $0x1;
	_ =	shalt  }
.Lfunc_end2:
_tile_overlayer_lowered:
.L_overlay_start_2:
0x76: {  	(tag) =	ssettag $0x2  }
0x77: {  	s0 =	rddreg [dreg:$0x0];
	s2 =	stileid.u32  }
0x78: {  	s1 =	rddreg [dreg:$0x1];
	p0 =	sne.s32 s2, $0x0  }
0x79: {  	s3 =	rddreg [dreg:$0x2];
	[bflag:$0x3] =	sbarrier.arrive $0xFFFF;
	s2 =	simm.s32 @!p0 $0x1C05  }
0x7a: {  	[timem:s3], [sflag:s2] =	dma.local @!p0 [hbm:s0], s1  }
0x7b: {  	s0 =	simm.s32 @!p0 $0x5  }
0x7c: {  	_ =	swait.ge @!p0 [sflag:s0], s1  }
0x7d: {  	s1 =	ssub.s32 @!p0 $0x0, s1;
	[sflag:s0] =	ssyncset.done @!p0 $0x0  }
0x7e: {  	[sflag:s0] =	ssyncadd.s32 @!p0 s1  }
0x7f: {  	[bflag:$0x3] =	sbarrier.arrive $0xFFFF  }
0x80: {  	_ =	shalt  }

</sc_bundles>
